<compile_context>
chip_gen: v7x
topology: tpu7x:2x2x1
jax: 0.10.2.dev20260603
libtpu: 0.0.44.dev20260713+nightly
codegen_flags: <defaults>
</compile_context>

<pallas_src>
import functools

import jax
import jax.numpy as jnp
from jax import lax
from jax.experimental import pallas as pl
from jax.experimental.pallas import tpu as pltpu
from jax.experimental.pallas import tpu_sc as plsc

NC, NS, L = 2, 16, 16
NW = NC * NS


def _worker_id():
    return lax.axis_index("s") * NC + lax.axis_index("c")


def _body(x_hbm, pos_hbm, t0_hbm, t1_hbm, hm_hbm, ht_hbm,
          out_hbm, xv, posv, xe, fidx, i0, i1, tlv, r0, r1, sem,
          *, b_per_w, n_chunks, vcut):
    wid = _worker_id()
    base = wid * b_per_w
    P = b_per_w * n_chunks
    KV = P // L

    pltpu.sync_copy(x_hbm.at[pl.ds(base, b_per_w)], xv)
    pltpu.sync_copy(pos_hbm, posv)
    pltpu.sync_copy(ht_hbm, tlv)

    lane = lax.iota(jnp.int32, L)
    pat = lane % n_chunks

    def fill1(sl):
        xi = plsc.load_gather(xv, [posv[sl]])
        xe[sl] = xi
        xc = jnp.minimum(xi, vcut - 1)
        fidx[sl] = pat * vcut + xc

    def fill(k, _):
        fill1(pl.ds(k * 2 * L, L))
        fill1(pl.ds(k * 2 * L + L, L))
        return _
    lax.fori_loop(0, KV // 2, fill, None)

    pltpu.async_copy(hm_hbm.at[fidx], i0, sem).wait()

    def gfill1(sl):
        xev = xe[sl]
        tidx = jnp.maximum(xev - vcut, 0) * n_chunks + pat
        tv = plsc.load_gather(tlv, [tidx])
        m = xev >= vcut
        w = jnp.where(m, tv, i0[sl])
        i0[sl] = (w & 0xFFFF) * n_chunks + pat
        i1[sl] = ((w >> 16) & 0xFFFF) * n_chunks + pat

    def gfill(k, _):
        gfill1(pl.ds(k * 2 * L, L))
        gfill1(pl.ds(k * 2 * L + L, L))
        return _
    lax.fori_loop(0, KV // 2, gfill, None)

    c0 = pltpu.async_copy(t0_hbm.at[i0], r0, sem)
    c1 = pltpu.async_copy(t1_hbm.at[i1], r1, sem)
    c0.wait()
    c1.wait()

    def addf(j, _):
        j4 = j * 4
        r0[j4] = r0[j4] + r1[j4]
        r0[j4 + 1] = r0[j4 + 1] + r1[j4 + 1]
        r0[j4 + 2] = r0[j4 + 2] + r1[j4 + 2]
        r0[j4 + 3] = r0[j4 + 3] + r1[j4 + 3]
        return _
    lax.fori_loop(0, P // 4, addf, None)

    pltpu.sync_copy(r0, out_hbm.at[pl.ds(wid * P, P)])


def kernel(x, table0, table1, h0, h1):
    rows, n_chunks, chunk_size = table0.shape
    vocab = h0.shape[0]
    B = x.shape[0]
    b_per_w = B // NW
    P = b_per_w * n_chunks
    vcut = (vocab // 128) * 128

    t0f = table0.reshape(rows * n_chunks, chunk_size)
    t1f = table1.reshape(rows * n_chunks, chunk_size)
    hm = (h0[:vcut] | (h1[:vcut] << 16)).T.reshape(-1)
    ht = (h0[vcut:] | (h1[vcut:] << 16)).reshape(-1)
    ntail = vocab - vcut
    pos = jnp.arange(P, dtype=jnp.int32) // n_chunks

    mesh = plsc.VectorSubcoreMesh(core_axis_name="c", subcore_axis_name="s",
                                  num_cores=NC, num_subcores=NS)
    body = functools.partial(_body, b_per_w=b_per_w, n_chunks=n_chunks,
                             vcut=vcut)
    out = pl.kernel(
        body,
        out_type=jax.ShapeDtypeStruct((B * n_chunks, chunk_size), jnp.float32),
        mesh=mesh,
        compiler_params=pltpu.CompilerParams(use_tc_tiling_on_sc=False,
                                             needs_layout_passes=False),
        scratch_types=[
            pltpu.VMEM((b_per_w,), jnp.int32),
            pltpu.VMEM((P,), jnp.int32),
            pltpu.VMEM((P,), jnp.int32),
            pltpu.VMEM((P,), jnp.int32),
            pltpu.VMEM((P,), jnp.int32),
            pltpu.VMEM((P,), jnp.int32),
            pltpu.VMEM((ntail * n_chunks,), jnp.int32),
            pltpu.VMEM((P, chunk_size), jnp.float32),
            pltpu.VMEM((P, chunk_size), jnp.float32),
            pltpu.SemaphoreType.DMA,
        ],
    )(x, pos, t0f, t1f, hm, ht)
    return out.reshape(B, n_chunks * chunk_size)

# --- scband reference (transcript-rebuilt; emitter-appended) ---
"""Pipeline reference for scband-ccembedding-45389214384720 (READ-ONLY COPY).

The authoritative reference and input builder live on the scoring server;
editing this copy changes nothing except your own understanding.
"""

import jax, jax.numpy as jnp
import numpy as np

VOCAB = 1000000
ROWS = 16384
CHUNK_SIZE = 16
N_CHUNKS = 4
BATCH = 16384


def setup_inputs(seed: int = 0) -> dict:
    key = jax.random.key(seed)
    k1, k2, k3, k4, k5 = jax.random.split(key, 5)
    dim = CHUNK_SIZE * N_CHUNKS
    bound = dim ** (-0.5)
    table0 = jax.random.uniform(k1, (ROWS, N_CHUNKS, CHUNK_SIZE), minval=-bound, maxval=bound, dtype=jnp.float32)
    table1 = jax.random.uniform(k2, (ROWS, N_CHUNKS, CHUNK_SIZE), minval=-bound, maxval=bound, dtype=jnp.float32)
    h0 = jax.random.randint(k3, (VOCAB, N_CHUNKS), 0, ROWS, dtype=jnp.int64 if jax.config.jax_enable_x64 else jnp.int32)
    h1 = jax.random.randint(k4, (VOCAB, N_CHUNKS), 0, ROWS, dtype=jnp.int64 if jax.config.jax_enable_x64 else jnp.int32)
    x = jax.random.randint(k5, (BATCH,), 0, VOCAB, dtype=jnp.int64 if jax.config.jax_enable_x64 else jnp.int32)
    return {"x": x, "table0": table0, "table1": table1, "h0": h0, "h1": h1}


def reference(x, table0, table1, h0, h1):
    rows, n_chunks, chunk_size = table0.shape
    chunk_ids = jnp.arange(n_chunks)
    idx0 = jnp.take(h0, x, axis=0)  # [B, n_chunks] row ids per chunk
    idx1 = jnp.take(h1, x, axis=0)  # [B, n_chunks]
    # table0[idx0, range(n_chunks)] -> [B, n_chunks, chunk_size]
    part0 = table0[idx0, chunk_ids[None, :]]
    part1 = table1[idx1, chunk_ids[None, :]]
    out = (part0 + part1).reshape(x.shape[0], n_chunks * chunk_size)
    return out

if __name__ == "__main__":
    import jax
    _d = setup_inputs()
    print(jax.jit(kernel)(*tuple(_d.values())))

</pallas_src>

<mosaic_0001>
#map = affine_map<(d0, d1) -> (0)>
#map1 = affine_map<(d0, d1) -> (0, 0)>
module attributes {stable_mosaic.version = 14 : i64} {
  func.func @_body(%arg0: i32, %arg1: i32, %arg2: memref<16384xi32, #tpu.memory_space<hbm>>, %arg3: memref<2048xi32, #tpu.memory_space<hbm>>, %arg4: memref<65536x16xf32, #tpu.memory_space<hbm>>, %arg5: memref<65536x16xf32, #tpu.memory_space<hbm>>, %arg6: memref<3999744xi32, #tpu.memory_space<hbm>>, %arg7: memref<256xi32, #tpu.memory_space<hbm>>, %arg8: memref<65536x16xf32, #tpu.memory_space<hbm>>, %arg9: memref<512xi32, #tpu.memory_space<vmem>>, %arg10: memref<2048xi32, #tpu.memory_space<vmem>>, %arg11: memref<2048xi32, #tpu.memory_space<vmem>>, %arg12: memref<2048xi32, #tpu.memory_space<vmem>>, %arg13: memref<2048xi32, #tpu.memory_space<vmem>>, %arg14: memref<2048xi32, #tpu.memory_space<vmem>>, %arg15: memref<256xi32, #tpu.memory_space<vmem>>, %arg16: memref<2048x16xf32, #tpu.memory_space<vmem>>, %arg17: memref<2048x16xf32, #tpu.memory_space<vmem>>, %arg18: memref<!tpu.dma_semaphore, #tpu.memory_space<semaphore_mem>>) attributes {dimension_semantics = [#tpu.dimension_semantics<core_parallel>, #tpu.dimension_semantics<subcore_parallel>], iteration_bounds = array<i64: 2, 16>, scalar_prefetch = 0 : i64, scratch_operands = 10 : i64, tpu.core_type = #tpu.core_type<sc_vector_subcore>, window_params = [{transform_indices = #map}, {transform_indices = #map}, {transform_indices = #map1}, {transform_indices = #map1}, {transform_indices = #map}, {transform_indices = #map}, {transform_indices = #map1}]} {
    %mul3A = arith.constant 2 : i32
    %mul3A_0 = arith.muli %arg1, %mul3A : i32
    %add3A = arith.addi %mul3A_0, %arg0 : i32
    %mul3A_1 = arith.constant 512 : i32
    %mul3A_2 = arith.muli %add3A, %mul3A_1 : i32
    "tpu.region"() ({
      %run_scoped3A = tpu.sem_alloc : memref<!tpu.dma_semaphore, #tpu.memory_space<semaphore_mem>>
      %dma_start3A_48 = tpu.memref_slice %arg2[%mul3A_2] : memref<16384xi32, #tpu.memory_space<hbm>> -> memref<512xi32, #tpu.memory_space<hbm>>
      %dma_start3A_49 = tpu.memref_slice %arg2[%mul3A_2] : memref<16384xi32, #tpu.memory_space<hbm>> -> memref<512xi32, #tpu.memory_space<hbm>>
      tpu.enqueue_dma source(%dma_start3A_49 : memref<512xi32, #tpu.memory_space<hbm>>) target(%arg9 : memref<512xi32, #tpu.memory_space<vmem>>) target_semaphore(%run_scoped3A : memref<!tpu.dma_semaphore, #tpu.memory_space<semaphore_mem>>)
      %dma_wait3A_50 = tpu.memref_slice %arg2[%mul3A_2] : memref<16384xi32, #tpu.memory_space<hbm>> -> memref<512xi32, #tpu.memory_space<hbm>>
      %dma_wait3A_51 = tpu.memref_slice %arg2[%mul3A_2] : memref<16384xi32, #tpu.memory_space<hbm>> -> memref<512xi32, #tpu.memory_space<hbm>>
      tpu.wait_dma2 semaphore(%run_scoped3A : memref<!tpu.dma_semaphore, #tpu.memory_space<semaphore_mem>>) src(%dma_wait3A_51 : memref<512xi32, #tpu.memory_space<hbm>>) dst(%arg9 : memref<512xi32, #tpu.memory_space<vmem>>)
      tpu.yield
    }) : () -> ()
    "tpu.region"() ({
      %run_scoped3A = tpu.sem_alloc : memref<!tpu.dma_semaphore, #tpu.memory_space<semaphore_mem>>
      tpu.enqueue_dma source(%arg3 : memref<2048xi32, #tpu.memory_space<hbm>>) target(%arg10 : memref<2048xi32, #tpu.memory_space<vmem>>) target_semaphore(%run_scoped3A : memref<!tpu.dma_semaphore, #tpu.memory_space<semaphore_mem>>)
      tpu.wait_dma2 semaphore(%run_scoped3A : memref<!tpu.dma_semaphore, #tpu.memory_space<semaphore_mem>>) src(%arg3 : memref<2048xi32, #tpu.memory_space<hbm>>) dst(%arg10 : memref<2048xi32, #tpu.memory_space<vmem>>)
      tpu.yield
    }) : () -> ()
    "tpu.region"() ({
      %run_scoped3A = tpu.sem_alloc : memref<!tpu.dma_semaphore, #tpu.memory_space<semaphore_mem>>
      tpu.enqueue_dma source(%arg7 : memref<256xi32, #tpu.memory_space<hbm>>) target(%arg15 : memref<256xi32, #tpu.memory_space<vmem>>) target_semaphore(%run_scoped3A : memref<!tpu.dma_semaphore, #tpu.memory_space<semaphore_mem>>)
      tpu.wait_dma2 semaphore(%run_scoped3A : memref<!tpu.dma_semaphore, #tpu.memory_space<semaphore_mem>>) src(%arg7 : memref<256xi32, #tpu.memory_space<hbm>>) dst(%arg15 : memref<256xi32, #tpu.memory_space<vmem>>)
      tpu.yield
    }) : () -> ()
    %iota3A = tpu.iota {dimensions = array<i32: 0>} : vector<16xi32>
    %jit3A = arith.constant 4 : i32
    %eq3A = arith.constant 0 : i32
    %eq3A_3 = arith.cmpi eq, %jit3A, %eq3A : i32
    %jit3A_4 = arith.constant 1 : i32
    %select_n3A = arith.select %eq3A_3, %jit3A_4, %jit3A : i32
    %rem3A = vector.broadcast %select_n3A : i32 to vector<16xi32>
    %rem3A_5 = arith.remsi %iota3A, %rem3A : vector<16xi32>
    %ne3A = arith.constant 0 : i32
    %ne3A_6 = vector.broadcast %ne3A : i32 to vector<16xi32>
    %ne3A_7 = arith.cmpi ne, %rem3A_5, %ne3A_6 : vector<16xi32>
    %lt3A = arith.constant 0 : i32
    %lt3A_8 = vector.broadcast %lt3A : i32 to vector<16xi32>
    %lt3A_9 = arith.cmpi slt, %rem3A_5, %lt3A_8 : vector<16xi32>
    %lt3A_10 = arith.constant 0 : i32
    %lt3A_11 = arith.cmpi slt, %select_n3A, %lt3A_10 : i32
    %ne3A_12 = vector.broadcast %lt3A_11 : i1 to vector<16xi1>
    %ne3A_13 = vector.broadcast %ne3A_12 : vector<16xi1> to vector<16xi1>
    %ne3A_14 = arith.xori %lt3A_9, %ne3A_13 : vector<16xi1>
    %and3A = arith.andi %ne3A_14, %ne3A_7 : vector<16xi1>
    %add3A_15 = vector.broadcast %select_n3A : i32 to vector<16xi32>
    %add3A_16 = arith.addi %rem3A_5, %add3A_15 : vector<16xi32>
    %select_n3A_17 = arith.select %and3A, %add3A_16, %rem3A_5 : vector<16xi1>, vector<16xi32>
    %scan3A = arith.constant 0 : i32
    %scan3A_18 = arith.constant 64 : i32
    %scan3A_19 = arith.addi %scan3A, %scan3A_18 : i32
    %scan3A_20 = arith.constant 1 : i32
    scf.for %scan3A_48 = %scan3A to %scan3A_19 step %scan3A_20  : i32 {
      %mul3A_49 = arith.constant 2 : i32
      %mul3A_50 = arith.muli %scan3A_48, %mul3A_49 : i32
      %mul3A_51 = arith.constant 16 : i32
      %mul3A_52 = arith.muli %mul3A_50, %mul3A_51 : i32
      %get3A = arith.index_cast %mul3A_52 : i32 to index
      %get3A_53 = tpu.vector_load %arg10[%get3A] {strides = array<i32>} : memref<2048xi32, #tpu.memory_space<vmem>>, vector<16xi32>,
      %gather3A = tpu.vector_load_idx %arg9[%get3A_53] : memref<512xi32, #tpu.memory_space<vmem>>[vector<16xi32>], vector<16xi32>,
      %swap3A = arith.index_cast %mul3A_52 : i32 to index
      %swap3A_54 = tpu.vector_load %arg11[%swap3A] {strides = array<i32>} : memref<2048xi32, #tpu.memory_space<vmem>>, vector<16xi32>,
      tpu.vector_store %arg11[%swap3A], %gather3A {strides = array<i32>} : memref<2048xi32, #tpu.memory_space<vmem>>, vector<16xi32>,
      %min3A = arith.constant 999935 : i32
      %min3A_55 = vector.broadcast %min3A : i32 to vector<16xi32>
      %min3A_56 = arith.minsi %gather3A, %min3A_55 : vector<16xi32>
      %mul3A_57 = arith.constant 999936 : i32
      %mul3A_58 = vector.broadcast %mul3A_57 : i32 to vector<16xi32>
      %mul3A_59 = arith.muli %select_n3A_17, %mul3A_58 : vector<16xi32>
      %add3A_60 = arith.addi %mul3A_59, %min3A_56 : vector<16xi32>
      %swap3A_61 = arith.index_cast %mul3A_52 : i32 to index
      %swap3A_62 = tpu.vector_load %arg12[%swap3A_61] {strides = array<i32>} : memref<2048xi32, #tpu.memory_space<vmem>>, vector<16xi32>,
      tpu.vector_store %arg12[%swap3A_61], %add3A_60 {strides = array<i32>} : memref<2048xi32, #tpu.memory_space<vmem>>, vector<16xi32>,
      %mul3A_63 = arith.constant 2 : i32
      %mul3A_64 = arith.muli %scan3A_48, %mul3A_63 : i32
      %mul3A_65 = arith.constant 16 : i32
      %mul3A_66 = arith.muli %mul3A_64, %mul3A_65 : i32
      %add3A_67 = arith.constant 16 : i32
      %add3A_68 = arith.addi %mul3A_66, %add3A_67 : i32
      %get3A_69 = arith.index_cast %add3A_68 : i32 to index
      %get3A_70 = tpu.vector_load %arg10[%get3A_69] {strides = array<i32>} : memref<2048xi32, #tpu.memory_space<vmem>>, vector<16xi32>,
      %gather3A_71 = tpu.vector_load_idx %arg9[%get3A_70] : memref<512xi32, #tpu.memory_space<vmem>>[vector<16xi32>], vector<16xi32>,
      %swap3A_72 = arith.index_cast %add3A_68 : i32 to index
      %swap3A_73 = tpu.vector_load %arg11[%swap3A_72] {strides = array<i32>} : memref<2048xi32, #tpu.memory_space<vmem>>, vector<16xi32>,
      tpu.vector_store %arg11[%swap3A_72], %gather3A_71 {strides = array<i32>} : memref<2048xi32, #tpu.memory_space<vmem>>, vector<16xi32>,
      %min3A_74 = arith.constant 999935 : i32
      %min3A_75 = vector.broadcast %min3A_74 : i32 to vector<16xi32>
      %min3A_76 = arith.minsi %gather3A_71, %min3A_75 : vector<16xi32>
      %mul3A_77 = arith.constant 999936 : i32
      %mul3A_78 = vector.broadcast %mul3A_77 : i32 to vector<16xi32>
      %mul3A_79 = arith.muli %select_n3A_17, %mul3A_78 : vector<16xi32>
      %add3A_80 = arith.addi %mul3A_79, %min3A_76 : vector<16xi32>
      %swap3A_81 = arith.index_cast %add3A_68 : i32 to index
      %swap3A_82 = tpu.vector_load %arg12[%swap3A_81] {strides = array<i32>} : memref<2048xi32, #tpu.memory_space<vmem>>, vector<16xi32>,
      tpu.vector_store %arg12[%swap3A_81], %add3A_80 {strides = array<i32>} : memref<2048xi32, #tpu.memory_space<vmem>>, vector<16xi32>,
    }
    %scan3A_21 = arith.constant 64 : i32
    %dma_start3A = arith.constant 0 : i32
    %dma_start3A_22 = tpu.memref_slice %arg6[%dma_start3A] : memref<3999744xi32, #tpu.memory_space<hbm>> -> memref<3999744xi32, #tpu.memory_space<hbm>>
    tpu.enqueue_indirect_dma source(%dma_start3A_22 : memref<3999744xi32, #tpu.memory_space<hbm>>) target(%arg13 : memref<2048xi32, #tpu.memory_space<vmem>>) offsets(%arg12 : memref<2048xi32, #tpu.memory_space<vmem>>) semaphore(%arg18 : memref<!tpu.dma_semaphore, #tpu.memory_space<semaphore_mem>>)
    %dma_wait3A = arith.constant 0 : i32
    %dma_wait3A_23 = tpu.memref_slice %arg6[%dma_wait3A] : memref<3999744xi32, #tpu.memory_space<hbm>> -> memref<3999744xi32, #tpu.memory_space<hbm>>
    tpu.wait_indirect_dma semaphore(%arg18 : memref<!tpu.dma_semaphore, #tpu.memory_space<semaphore_mem>>) src(%dma_wait3A_23 : memref<3999744xi32, #tpu.memory_space<hbm>>) dst(%arg13 : memref<2048xi32, #tpu.memory_space<vmem>>)
    %scan3A_24 = arith.constant 0 : i32
    %scan3A_25 = arith.constant 64 : i32
    %scan3A_26 = arith.addi %scan3A_24, %scan3A_25 : i32
    %scan3A_27 = arith.constant 1 : i32
    scf.for %scan3A_48 = %scan3A_24 to %scan3A_26 step %scan3A_27  : i32 {
      %mul3A_49 = arith.constant 2 : i32
      %mul3A_50 = arith.muli %scan3A_48, %mul3A_49 : i32
      %mul3A_51 = arith.constant 16 : i32
      %mul3A_52 = arith.muli %mul3A_50, %mul3A_51 : i32
      %get3A = arith.index_cast %mul3A_52 : i32 to index
      %get3A_53 = tpu.vector_load %arg11[%get3A] {strides = array<i32>} : memref<2048xi32, #tpu.memory_space<vmem>>, vector<16xi32>,
      %sub3A = arith.constant 999936 : i32
      %sub3A_54 = vector.broadcast %sub3A : i32 to vector<16xi32>
      %sub3A_55 = arith.subi %get3A_53, %sub3A_54 : vector<16xi32>
      %max3A = arith.constant 0 : i32
      %max3A_56 = vector.broadcast %max3A : i32 to vector<16xi32>
      %max3A_57 = arith.maxsi %sub3A_55, %max3A_56 : vector<16xi32>
      %mul3A_58 = arith.constant 4 : i32
      %mul3A_59 = vector.broadcast %mul3A_58 : i32 to vector<16xi32>
      %mul3A_60 = arith.muli %max3A_57, %mul3A_59 : vector<16xi32>
      %add3A_61 = arith.addi %mul3A_60, %select_n3A_17 : vector<16xi32>
      %gather3A = tpu.vector_load_idx %arg15[%add3A_61] : memref<256xi32, #tpu.memory_space<vmem>>[vector<16xi32>], vector<16xi32>,
      %ge3A = arith.constant 999936 : i32
      %ge3A_62 = vector.broadcast %ge3A : i32 to vector<16xi32>
      %ge3A_63 = arith.cmpi sge, %get3A_53, %ge3A_62 : vector<16xi32>
      %get3A_64 = arith.index_cast %mul3A_52 : i32 to index
      %get3A_65 = tpu.vector_load %arg13[%get3A_64] {strides = array<i32>} : memref<2048xi32, #tpu.memory_space<vmem>>, vector<16xi32>,
      %select_n3A_66 = arith.select %ge3A_63, %gather3A, %get3A_65 : vector<16xi1>, vector<16xi32>
      %and3A_67 = arith.constant 65535 : i32
      %and3A_68 = vector.broadcast %and3A_67 : i32 to vector<16xi32>
      %and3A_69 = arith.andi %select_n3A_66, %and3A_68 : vector<16xi32>
      %mul3A_70 = arith.constant 4 : i32
      %mul3A_71 = vector.broadcast %mul3A_70 : i32 to vector<16xi32>
      %mul3A_72 = arith.muli %and3A_69, %mul3A_71 : vector<16xi32>
      %add3A_73 = arith.addi %mul3A_72, %select_n3A_17 : vector<16xi32>
      %swap3A = arith.index_cast %mul3A_52 : i32 to index
      %swap3A_74 = tpu.vector_load %arg13[%swap3A] {strides = array<i32>} : memref<2048xi32, #tpu.memory_space<vmem>>, vector<16xi32>,
      tpu.vector_store %arg13[%swap3A], %add3A_73 {strides = array<i32>} : memref<2048xi32, #tpu.memory_space<vmem>>, vector<16xi32>,
      %shift_right_arithmetic3A = arith.constant 16 : i32
      %shift_right_arithmetic3A_75 = vector.broadcast %shift_right_arithmetic3A : i32 to vector<16xi32>
      %shift_right_arithmetic3A_76 = arith.shrsi %select_n3A_66, %shift_right_arithmetic3A_75 : vector<16xi32>
      %and3A_77 = arith.constant 65535 : i32
      %and3A_78 = vector.broadcast %and3A_77 : i32 to vector<16xi32>
      %and3A_79 = arith.andi %shift_right_arithmetic3A_76, %and3A_78 : vector<16xi32>
      %mul3A_80 = arith.constant 4 : i32
      %mul3A_81 = vector.broadcast %mul3A_80 : i32 to vector<16xi32>
      %mul3A_82 = arith.muli %and3A_79, %mul3A_81 : vector<16xi32>
      %add3A_83 = arith.addi %mul3A_82, %select_n3A_17 : vector<16xi32>
      %swap3A_84 = arith.index_cast %mul3A_52 : i32 to index
      %swap3A_85 = tpu.vector_load %arg14[%swap3A_84] {strides = array<i32>} : memref<2048xi32, #tpu.memory_space<vmem>>, vector<16xi32>,
      tpu.vector_store %arg14[%swap3A_84], %add3A_83 {strides = array<i32>} : memref<2048xi32, #tpu.memory_space<vmem>>, vector<16xi32>,
      %mul3A_86 = arith.constant 2 : i32
      %mul3A_87 = arith.muli %scan3A_48, %mul3A_86 : i32
      %mul3A_88 = arith.constant 16 : i32
      %mul3A_89 = arith.muli %mul3A_87, %mul3A_88 : i32
      %add3A_90 = arith.constant 16 : i32
      %add3A_91 = arith.addi %mul3A_89, %add3A_90 : i32
      %get3A_92 = arith.index_cast %add3A_91 : i32 to index
      %get3A_93 = tpu.vector_load %arg11[%get3A_92] {strides = array<i32>} : memref<2048xi32, #tpu.memory_space<vmem>>, vector<16xi32>,
      %sub3A_94 = arith.constant 999936 : i32
      %sub3A_95 = vector.broadcast %sub3A_94 : i32 to vector<16xi32>
      %sub3A_96 = arith.subi %get3A_93, %sub3A_95 : vector<16xi32>
      %max3A_97 = arith.constant 0 : i32
      %max3A_98 = vector.broadcast %max3A_97 : i32 to vector<16xi32>
      %max3A_99 = arith.maxsi %sub3A_96, %max3A_98 : vector<16xi32>
      %mul3A_100 = arith.constant 4 : i32
      %mul3A_101 = vector.broadcast %mul3A_100 : i32 to vector<16xi32>
      %mul3A_102 = arith.muli %max3A_99, %mul3A_101 : vector<16xi32>
      %add3A_103 = arith.addi %mul3A_102, %select_n3A_17 : vector<16xi32>
      %gather3A_104 = tpu.vector_load_idx %arg15[%add3A_103] : memref<256xi32, #tpu.memory_space<vmem>>[vector<16xi32>], vector<16xi32>,
      %ge3A_105 = arith.constant 999936 : i32
      %ge3A_106 = vector.broadcast %ge3A_105 : i32 to vector<16xi32>
      %ge3A_107 = arith.cmpi sge, %get3A_93, %ge3A_106 : vector<16xi32>
      %get3A_108 = arith.index_cast %add3A_91 : i32 to index
      %get3A_109 = tpu.vector_load %arg13[%get3A_108] {strides = array<i32>} : memref<2048xi32, #tpu.memory_space<vmem>>, vector<16xi32>,
      %select_n3A_110 = arith.select %ge3A_107, %gather3A_104, %get3A_109 : vector<16xi1>, vector<16xi32>
      %and3A_111 = arith.constant 65535 : i32
      %and3A_112 = vector.broadcast %and3A_111 : i32 to vector<16xi32>
      %and3A_113 = arith.andi %select_n3A_110, %and3A_112 : vector<16xi32>
      %mul3A_114 = arith.constant 4 : i32
      %mul3A_115 = vector.broadcast %mul3A_114 : i32 to vector<16xi32>
      %mul3A_116 = arith.muli %and3A_113, %mul3A_115 : vector<16xi32>
      %add3A_117 = arith.addi %mul3A_116, %select_n3A_17 : vector<16xi32>
      %swap3A_118 = arith.index_cast %add3A_91 : i32 to index
      %swap3A_119 = tpu.vector_load %arg13[%swap3A_118] {strides = array<i32>} : memref<2048xi32, #tpu.memory_space<vmem>>, vector<16xi32>,
      tpu.vector_store %arg13[%swap3A_118], %add3A_117 {strides = array<i32>} : memref<2048xi32, #tpu.memory_space<vmem>>, vector<16xi32>,
      %shift_right_arithmetic3A_120 = arith.constant 16 : i32
      %shift_right_arithmetic3A_121 = vector.broadcast %shift_right_arithmetic3A_120 : i32 to vector<16xi32>
      %shift_right_arithmetic3A_122 = arith.shrsi %select_n3A_110, %shift_right_arithmetic3A_121 : vector<16xi32>
      %and3A_123 = arith.constant 65535 : i32
      %and3A_124 = vector.broadcast %and3A_123 : i32 to vector<16xi32>
      %and3A_125 = arith.andi %shift_right_arithmetic3A_122, %and3A_124 : vector<16xi32>
      %mul3A_126 = arith.constant 4 : i32
      %mul3A_127 = vector.broadcast %mul3A_126 : i32 to vector<16xi32>
      %mul3A_128 = arith.muli %and3A_125, %mul3A_127 : vector<16xi32>
      %add3A_129 = arith.addi %mul3A_128, %select_n3A_17 : vector<16xi32>
      %swap3A_130 = arith.index_cast %add3A_91 : i32 to index
      %swap3A_131 = tpu.vector_load %arg14[%swap3A_130] {strides = array<i32>} : memref<2048xi32, #tpu.memory_space<vmem>>, vector<16xi32>,
      tpu.vector_store %arg14[%swap3A_130], %add3A_129 {strides = array<i32>} : memref<2048xi32, #tpu.memory_space<vmem>>, vector<16xi32>,
    }
    %scan3A_28 = arith.constant 64 : i32
    %dma_start3A_29 = arith.constant 0 : i32
    %dma_start3A_30 = arith.constant 0 : i32
    %dma_start3A_31 = tpu.memref_slice %arg4[%dma_start3A_29, %dma_start3A_30] : memref<65536x16xf32, #tpu.memory_space<hbm>> -> memref<65536x16xf32, #tpu.memory_space<hbm>>
    tpu.enqueue_indirect_dma source(%dma_start3A_31 : memref<65536x16xf32, #tpu.memory_space<hbm>>) target(%arg16 : memref<2048x16xf32, #tpu.memory_space<vmem>>) offsets(%arg13 : memref<2048xi32, #tpu.memory_space<vmem>>) semaphore(%arg18 : memref<!tpu.dma_semaphore, #tpu.memory_space<semaphore_mem>>)
    %dma_start3A_32 = arith.constant 0 : i32
    %dma_start3A_33 = arith.constant 0 : i32
    %dma_start3A_34 = tpu.memref_slice %arg5[%dma_start3A_32, %dma_start3A_33] : memref<65536x16xf32, #tpu.memory_space<hbm>> -> memref<65536x16xf32, #tpu.memory_space<hbm>>
    tpu.enqueue_indirect_dma source(%dma_start3A_34 : memref<65536x16xf32, #tpu.memory_space<hbm>>) target(%arg17 : memref<2048x16xf32, #tpu.memory_space<vmem>>) offsets(%arg14 : memref<2048xi32, #tpu.memory_space<vmem>>) semaphore(%arg18 : memref<!tpu.dma_semaphore, #tpu.memory_space<semaphore_mem>>)
    %dma_wait3A_35 = arith.constant 0 : i32
    %dma_wait3A_36 = arith.constant 0 : i32
    %dma_wait3A_37 = tpu.memref_slice %arg4[%dma_wait3A_35, %dma_wait3A_36] : memref<65536x16xf32, #tpu.memory_space<hbm>> -> memref<65536x16xf32, #tpu.memory_space<hbm>>
    tpu.wait_indirect_dma semaphore(%arg18 : memref<!tpu.dma_semaphore, #tpu.memory_space<semaphore_mem>>) src(%dma_wait3A_37 : memref<65536x16xf32, #tpu.memory_space<hbm>>) dst(%arg16 : memref<2048x16xf32, #tpu.memory_space<vmem>>)
    %dma_wait3A_38 = arith.constant 0 : i32
    %dma_wait3A_39 = arith.constant 0 : i32
    %dma_wait3A_40 = tpu.memref_slice %arg5[%dma_wait3A_38, %dma_wait3A_39] : memref<65536x16xf32, #tpu.memory_space<hbm>> -> memref<65536x16xf32, #tpu.memory_space<hbm>>
    tpu.wait_indirect_dma semaphore(%arg18 : memref<!tpu.dma_semaphore, #tpu.memory_space<semaphore_mem>>) src(%dma_wait3A_40 : memref<65536x16xf32, #tpu.memory_space<hbm>>) dst(%arg17 : memref<2048x16xf32, #tpu.memory_space<vmem>>)
    %scan3A_41 = arith.constant 0 : i32
    %scan3A_42 = arith.constant 512 : i32
    %scan3A_43 = arith.addi %scan3A_41, %scan3A_42 : i32
    %scan3A_44 = arith.constant 1 : i32
    scf.for %scan3A_48 = %scan3A_41 to %scan3A_43 step %scan3A_44  : i32 {
      %mul3A_49 = arith.constant 4 : i32
      %mul3A_50 = arith.muli %scan3A_48, %mul3A_49 : i32
      %get3A = arith.index_cast %mul3A_50 : i32 to index
      %get3A_51 = arith.constant 0 : index
      %get3A_52 = tpu.vector_load %arg16[%get3A, %get3A_51] {strides = array<i32>} : memref<2048x16xf32, #tpu.memory_space<vmem>>, vector<16xf32>,
      %get3A_53 = arith.index_cast %mul3A_50 : i32 to index
      %get3A_54 = arith.constant 0 : index
      %get3A_55 = tpu.vector_load %arg17[%get3A_53, %get3A_54] {strides = array<i32>} : memref<2048x16xf32, #tpu.memory_space<vmem>>, vector<16xf32>,
      %add3A_56 = arith.addf %get3A_52, %get3A_55 : vector<16xf32>
      %swap3A = arith.index_cast %mul3A_50 : i32 to index
      %swap3A_57 = arith.constant 0 : index
      %swap3A_58 = tpu.vector_load %arg16[%swap3A, %swap3A_57] {strides = array<i32>} : memref<2048x16xf32, #tpu.memory_space<vmem>>, vector<16xf32>,
      tpu.vector_store %arg16[%swap3A, %swap3A_57], %add3A_56 {strides = array<i32>} : memref<2048x16xf32, #tpu.memory_space<vmem>>, vector<16xf32>,
      %add3A_59 = arith.constant 1 : i32
      %add3A_60 = arith.addi %mul3A_50, %add3A_59 : i32
      %get3A_61 = arith.index_cast %add3A_60 : i32 to index
      %get3A_62 = arith.constant 0 : index
      %get3A_63 = tpu.vector_load %arg16[%get3A_61, %get3A_62] {strides = array<i32>} : memref<2048x16xf32, #tpu.memory_space<vmem>>, vector<16xf32>,
      %add3A_64 = arith.constant 1 : i32
      %add3A_65 = arith.addi %mul3A_50, %add3A_64 : i32
      %get3A_66 = arith.index_cast %add3A_65 : i32 to index
      %get3A_67 = arith.constant 0 : index
      %get3A_68 = tpu.vector_load %arg17[%get3A_66, %get3A_67] {strides = array<i32>} : memref<2048x16xf32, #tpu.memory_space<vmem>>, vector<16xf32>,
      %add3A_69 = arith.addf %get3A_63, %get3A_68 : vector<16xf32>
      %add3A_70 = arith.constant 1 : i32
      %add3A_71 = arith.addi %mul3A_50, %add3A_70 : i32
      %swap3A_72 = arith.index_cast %add3A_71 : i32 to index
      %swap3A_73 = arith.constant 0 : index
      %swap3A_74 = tpu.vector_load %arg16[%swap3A_72, %swap3A_73] {strides = array<i32>} : memref<2048x16xf32, #tpu.memory_space<vmem>>, vector<16xf32>,
      tpu.vector_store %arg16[%swap3A_72, %swap3A_73], %add3A_69 {strides = array<i32>} : memref<2048x16xf32, #tpu.memory_space<vmem>>, vector<16xf32>,
      %add3A_75 = arith.constant 2 : i32
      %add3A_76 = arith.addi %mul3A_50, %add3A_75 : i32
      %get3A_77 = arith.index_cast %add3A_76 : i32 to index
      %get3A_78 = arith.constant 0 : index
      %get3A_79 = tpu.vector_load %arg16[%get3A_77, %get3A_78] {strides = array<i32>} : memref<2048x16xf32, #tpu.memory_space<vmem>>, vector<16xf32>,
      %add3A_80 = arith.constant 2 : i32
      %add3A_81 = arith.addi %mul3A_50, %add3A_80 : i32
      %get3A_82 = arith.index_cast %add3A_81 : i32 to index
      %get3A_83 = arith.constant 0 : index
      %get3A_84 = tpu.vector_load %arg17[%get3A_82, %get3A_83] {strides = array<i32>} : memref<2048x16xf32, #tpu.memory_space<vmem>>, vector<16xf32>,
      %add3A_85 = arith.addf %get3A_79, %get3A_84 : vector<16xf32>
      %add3A_86 = arith.constant 2 : i32
      %add3A_87 = arith.addi %mul3A_50, %add3A_86 : i32
      %swap3A_88 = arith.index_cast %add3A_87 : i32 to index
      %swap3A_89 = arith.constant 0 : index
      %swap3A_90 = tpu.vector_load %arg16[%swap3A_88, %swap3A_89] {strides = array<i32>} : memref<2048x16xf32, #tpu.memory_space<vmem>>, vector<16xf32>,
      tpu.vector_store %arg16[%swap3A_88, %swap3A_89], %add3A_85 {strides = array<i32>} : memref<2048x16xf32, #tpu.memory_space<vmem>>, vector<16xf32>,
      %add3A_91 = arith.constant 3 : i32
      %add3A_92 = arith.addi %mul3A_50, %add3A_91 : i32
      %get3A_93 = arith.index_cast %add3A_92 : i32 to index
      %get3A_94 = arith.constant 0 : index
      %get3A_95 = tpu.vector_load %arg16[%get3A_93, %get3A_94] {strides = array<i32>} : memref<2048x16xf32, #tpu.memory_space<vmem>>, vector<16xf32>,
      %add3A_96 = arith.constant 3 : i32
      %add3A_97 = arith.addi %mul3A_50, %add3A_96 : i32
      %get3A_98 = arith.index_cast %add3A_97 : i32 to index
      %get3A_99 = arith.constant 0 : index
      %get3A_100 = tpu.vector_load %arg17[%get3A_98, %get3A_99] {strides = array<i32>} : memref<2048x16xf32, #tpu.memory_space<vmem>>, vector<16xf32>,
      %add3A_101 = arith.addf %get3A_95, %get3A_100 : vector<16xf32>
      %add3A_102 = arith.constant 3 : i32
      %add3A_103 = arith.addi %mul3A_50, %add3A_102 : i32
      %swap3A_104 = arith.index_cast %add3A_103 : i32 to index
      %swap3A_105 = arith.constant 0 : index
      %swap3A_106 = tpu.vector_load %arg16[%swap3A_104, %swap3A_105] {strides = array<i32>} : memref<2048x16xf32, #tpu.memory_space<vmem>>, vector<16xf32>,
      tpu.vector_store %arg16[%swap3A_104, %swap3A_105], %add3A_101 {strides = array<i32>} : memref<2048x16xf32, #tpu.memory_space<vmem>>, vector<16xf32>,
    }
    %scan3A_45 = arith.constant 512 : i32
    %mul3A_46 = arith.constant 2048 : i32
    %mul3A_47 = arith.muli %add3A, %mul3A_46 : i32
    "tpu.region"() ({
      %run_scoped3A = tpu.sem_alloc : memref<!tpu.dma_semaphore, #tpu.memory_space<semaphore_mem>>
      %dma_start3A_48 = arith.constant 0 : i32
      %dma_start3A_49 = tpu.memref_slice %arg8[%mul3A_47, %dma_start3A_48] : memref<65536x16xf32, #tpu.memory_space<hbm>> -> memref<2048x16xf32, #tpu.memory_space<hbm>>
      %dma_start3A_50 = arith.constant 0 : i32
      %dma_start3A_51 = tpu.memref_slice %arg8[%mul3A_47, %dma_start3A_50] : memref<65536x16xf32, #tpu.memory_space<hbm>> -> memref<2048x16xf32, #tpu.memory_space<hbm>>
      tpu.enqueue_dma source(%arg16 : memref<2048x16xf32, #tpu.memory_space<vmem>>) target(%dma_start3A_51 : memref<2048x16xf32, #tpu.memory_space<hbm>>) target_semaphore(%run_scoped3A : memref<!tpu.dma_semaphore, #tpu.memory_space<semaphore_mem>>)
      %dma_wait3A_52 = arith.constant 0 : i32
      %dma_wait3A_53 = tpu.memref_slice %arg8[%mul3A_47, %dma_wait3A_52] : memref<65536x16xf32, #tpu.memory_space<hbm>> -> memref<2048x16xf32, #tpu.memory_space<hbm>>
      %dma_wait3A_54 = arith.constant 0 : i32
      %dma_wait3A_55 = tpu.memref_slice %arg8[%mul3A_47, %dma_wait3A_54] : memref<65536x16xf32, #tpu.memory_space<hbm>> -> memref<2048x16xf32, #tpu.memory_space<hbm>>
      tpu.wait_dma2 semaphore(%run_scoped3A : memref<!tpu.dma_semaphore, #tpu.memory_space<semaphore_mem>>) src(%arg16 : memref<2048x16xf32, #tpu.memory_space<vmem>>) dst(%dma_wait3A_55 : memref<2048x16xf32, #tpu.memory_space<hbm>>)
      tpu.yield
    }) : () -> ()
    return
  }
}

</mosaic_0001>

<sc_bundles>
// kernel: kernel.3.cloned.1.call-start
scs
__scs_entry_jumppad:
0x0: {  	(pc) =	sbr.rel $0x88, $3  }
0x1: {  	(tag) =	ssettag $0x0;
	lr =	simm.s32 $0x1  }
0x2: {  	[smem:$0x3F9C] =	sst lr;
	_ =	strace $0xD0000000  }
0x3: {  	_ = 	snop  }
0x4: {  	_ = 	snop  }
0x5: {  	_ = 	snop  }
0x6: {  	_ = 	snop  }
0x7: {  	_ = 	snop  }
__scs_overlays_trampoline_lowered:
0x8: {  	[smem:$0x3FAB] =	sst s0  }
0x9: {  	[smem:$0x3FAC] =	sst s1  }
0xa: {  	[smem:$0x3FAD] =	sst s2  }
0xb: {  	[smem:$0x3FAE] =	sst s3  }
0xc: {  	[smem:$0x3FAF] =	sst s4  }
0xd: {  	[smem:$0x3FB0] =	sst s5  }
0xe: {  	[smem:$0x3FB1] =	sst s6  }
0xf: {  	[smem:$0x3FB2] =	sst s7  }
0x10: {  	[smem:$0x3FB3] =	sst s8  }
0x11: {  	[smem:$0x3FB4] =	sst s9;
	s0 =	simm.s32 @!p0 $0x0  }
0x12: {  	s1 =	sld [smem:$0x3F9A];
	s0 =	simm.s32 @p0 $0x1  }
0x13: {  	[smem:$0x3FB5] =	sst s0;
	s0 =	simm.s32 @!p1 $0x0  }
0x14: {  	s2 =	sld [smem:$0x3F99];
	s0 =	simm.s32 @p1 $0x1  }
0x15: {  	[smem:$0x3FB6] =	sst s0;
	s0 =	simm.s32 @!p2 $0x0  }
0x16: {  	s3 =	sld [smem:$0x3FDB];
	s0 =	simm.s32 @p2 $0x1  }
0x17: {  	s4 =	simm.s32 $0x1BF5;
	[smem:$0x3FB8] =	sst s0  }
0x18: {  	s0 =	sld [smem:$0x3F9B];
	_ =	swait.ge [sflag:s4], $0x0  }
0x19: {  	s7 =	sld [smem:$0x3F9C]  }
0x1a: {  	s8 =	sadd.s32 $0xFFFFE003, lr  }
0x1b: {  	s9 =	sadd.s32 $0xFFFFFEF7, lr;
	s5 =	simm.s32 $0xFFFFFFFF;
	p2 =	slt.u32 s8, $0xFFFFF086  }
0x1c: {  	p1 =	slt.u32 s9, $0xF7A;
	s5 =	simm.s32 @!p2 $0x0  }
0x1d: {  	s5 =	simm.s32 @p1 $0x1;
	p0 =	seq.s32 s7, s2  }
0x1e: {  	s7 =	smul.u32 @!p0 $0xF7A, s2;
	p2 =	seq.s32 @!p0 s5, $0x0  }
0x1f: {  	s9 =	smul.u32 $0xF7A, s1;
	s8 =	simm.s32 @!p0 $0x1BF5;
	p2 =	por !p2, p0  }
0x20: {  	[sflag:s8] =	ssyncset.s32 @!p0 $0xFFFFF086;
	s6 =	sadd.s32 @!p0 s3, s7;
	s7 =	simm.s32 @!p0 $0x108  }
0x21: {  	s3 =	sadd.s32 s3, s9;
	s6 =	sadd.s32 @!p0 $0x88, s6;
	s7 =	simm.s32 @p2 $0x1082  }
0x22: {  	[simem:s7], [sflag:s8] =	dma.local @!p0 [hbm:s6], $0xF7A  }
0x23: {  	s9 =	sor.u32 $0xD0000000, s2;
	s6 =	simm.s32 $0x108;
	_ =	swait.ge @!p0 [sflag:s8], $0x0  }
0x24: {  	s3 =	sadd.s32 $0x88, s3;
	s6 =	simm.s32 @!p1 $0x1082;
	[sflag:s4] =	ssyncset.s32 $0xFFFFF086  }
0x25: {  	[simem:s6], [sflag:s4] =	dma.local [hbm:s3], $0xF7A  }
0x26: {  	[smem:$0x3F9C] =	sst s1;
	(tag) =	ssettag s2;
	_ =	strace s9  }
0x27: {  	s1 =	sld [smem:$0x3FAC]  }
0x28: {  	s2 =	sld [smem:$0x3FAD]  }
0x29: {  	s4 =	sld [smem:$0x3FAF]  }
0x2a: {  	p0 =	seq.s32 s5, $0x0;
	s5 =	sld [smem:$0x3FB0]  }
0x2b: {  	s6 =	sld [smem:$0x3FB1]  }
0x2c: {  	s7 =	sld [smem:$0x3FB2]  }
0x2d: {  	s3 =	simm.s32 $0x108;
	s8 =	sld [smem:$0x3FB3]  }
0x2e: {  	s3 =	simm.s32 @!p0 $0x1082;
	s9 =	sld [smem:$0x3FB4]  }
0x2f: {  	lr =	sadd.s32 s0, s3;
	s0 =	sld [smem:$0x3FAB]  }
0x30: {  	s3 =	sld [smem:$0x3FAE]  }
0x31: {  	[smem:$0x3FB7] =	sst s10  }
0x32: {  	s10 =	sld [smem:$0x3FB5];
	_ =	sdelay $0x3  }
0x33: {  	p0 =	seq.s32 s10, $0x1;
	s10 =	sld [smem:$0x3FB7];
	_ =	sdelay $0x3  }
0x34: {  	[smem:$0x3FB7] =	sst s10  }
0x35: {  	s10 =	sld [smem:$0x3FB6];
	_ =	sdelay $0x3  }
0x36: {  	p1 =	seq.s32 s10, $0x1;
	s10 =	sld [smem:$0x3FB7];
	_ =	sdelay $0x3  }
0x37: {  	[smem:$0x3FB7] =	sst s10  }
0x38: {  	s10 =	sld [smem:$0x3FB8]  }
0x39: {  	_ = 	snop;
	(pc) =	sbr.ind lr, $3  }
0x3a: {  	_ = 	snop  }
0x3b: {  	_ = 	snop  }
0x3c: {  	p2 =	seq.s32 s10, $0x1;
	s10 =	sld [smem:$0x3FB7]  }
0x3d: {  	_ =	shalt  }
0x3e: {  	_ =	shalt  }
0x3f: {  	_ =	shalt  }
0x40: {  	_ =	shalt  }
0x41: {  	_ =	shalt  }
0x42: {  	_ =	shalt  }
0x43: {  	_ =	shalt  }
0x44: {  	_ =	shalt  }
0x45: {  	_ =	shalt  }
0x46: {  	_ =	shalt  }
0x47: {  	_ =	shalt  }
0x48: {  	_ =	shalt  }
0x49: {  	_ =	shalt  }
0x4a: {  	_ =	shalt  }
0x4b: {  	_ =	shalt  }
0x4c: {  	_ =	shalt  }
0x4d: {  	_ =	shalt  }
0x4e: {  	_ =	shalt  }
0x4f: {  	_ =	shalt  }
0x50: {  	_ =	shalt  }
0x51: {  	_ =	shalt  }
0x52: {  	_ =	shalt  }
0x53: {  	_ =	shalt  }
0x54: {  	_ =	shalt  }
0x55: {  	_ =	shalt  }
0x56: {  	_ =	shalt  }
0x57: {  	_ =	shalt  }
0x58: {  	_ =	shalt  }
0x59: {  	_ =	shalt  }
0x5a: {  	_ =	shalt  }
0x5b: {  	_ =	shalt  }
0x5c: {  	_ =	shalt  }
0x5d: {  	_ =	shalt  }
0x5e: {  	_ =	shalt  }
0x5f: {  	_ =	shalt  }
0x60: {  	_ =	shalt  }
0x61: {  	_ =	shalt  }
0x62: {  	_ =	shalt  }
0x63: {  	_ =	shalt  }
0x64: {  	_ =	shalt  }
0x65: {  	_ =	shalt  }
0x66: {  	_ =	shalt  }
0x67: {  	_ =	shalt  }
0x68: {  	_ =	shalt  }
0x69: {  	_ =	shalt  }
0x6a: {  	_ =	shalt  }
0x6b: {  	_ =	shalt  }
0x6c: {  	_ =	shalt  }
0x6d: {  	_ =	shalt  }
0x6e: {  	_ =	shalt  }
0x6f: {  	_ =	shalt  }
0x70: {  	_ =	shalt  }
0x71: {  	_ =	shalt  }
0x72: {  	_ =	shalt  }
0x73: {  	_ =	shalt  }
0x74: {  	_ =	shalt  }
0x75: {  	_ =	shalt  }
0x76: {  	_ =	shalt  }
0x77: {  	_ =	shalt  }
0x78: {  	_ =	shalt  }
0x79: {  	_ =	shalt  }
0x7a: {  	_ =	shalt  }
0x7b: {  	_ =	shalt  }
0x7c: {  	_ =	shalt  }
0x7d: {  	_ =	shalt  }
0x7e: {  	_ =	shalt  }
0x7f: {  	_ =	shalt  }
0x80: {  	_ =	shalt  }
0x81: {  	_ =	shalt  }
0x82: {  	_ =	shalt  }
0x83: {  	_ =	shalt  }
0x84: {  	_ =	shalt  }
0x85: {  	_ =	shalt  }
0x86: {  	_ =	shalt  }
0x87: {  	_ =	shalt  }
.Lfunc_end0:
.L_simem_size_0:
called_computation_lowered:
.L_overlay_start_0:
0x88: {  	s2 =	sld [smem:$0x3FD9]  }
0x89: {  	s3 =	sld [smem:$0x3FFE];
	_ =	sdelay $0x1  }
0x8a: {  	s1 =	srdreg.scid  }
0x8b: {  	s0 =	sand.u32 $0x1, s1  }
0x8c: {  	s17 =	sshll.u32 s0, $0xA;
	s2 =	sadd.s32 s3, s2  }
0x8d: {  	s2 =	sadd.s32 s2, s17  }
0x8e: {  	[smem:$0x3FC3] =	sst s2  }
0x8f: {  	_ = 	snop  }
0x90: {  	s2 =	sld [smem:$0x3FC9]  }
0x91: {  	s18 =	sld [smem:$0x3FD0];
	(tm) =	ssettm $0x1  }
0x92: {  	s4 =	sld [smem:$0x3FFB];
	_ =	sdelay $0x3  }
0x93: {  	_ =	strace s4  }
0x94: {  	s4 =	sld [smem:$0x3FFC];
	_ =	sdelay $0x3  }
0x95: {  	_ =	strace s4  }
0x96: {  	s4 =	sld [smem:$0x3FFD];
	_ =	sdelay $0x3  }
0x97: {  	_ =	strace s4  }
0x98: {  	_ =	strace $0x8FFFFFFF  }
0x99: {  	s19 =	sld [smem:$0x3FDB];
	_ =	sdelay $0x1  }
0x9a: {  	s5 =	simm.s32 $_scs_section_size  }
0x9b: {  	s6 =	simm.s32 $_size__tile_overlayer_lowered;
	s7 =	simm.s32 $_tile_overlayer_lowered  }
0x9c: {  	s22 =	simm.s32 $0x1BFF;
	s21 =	sshll.u32 s7, $0x1;
	s4 =	sadd.s32 s5, s19  }
0x9d: {  	s8 =	simm.s32 $0x0;
	s20 =	sshll.u32 s6, $0x1;
	s6 =	sadd.s32 s21, s4  }
0x9e: {  	[timem:s8], [sflag:s22] =	dma.local [hbm:s6], s20  }
0x9f: {  	_ =	swait.ge [sflag:s22], s20  }
0xa0: {  	s5 =	ssub.s32 $0x0, s20;
	[sflag:s22] =	ssyncset.done $0x0  }
0xa1: {  	[sflag:s22] =	ssyncadd.s32 s5;
	_ =	sdelay $0x1  }
0xa2: {  	s23 =	simm.s32 $0x1B8B  }
0xa3: {  	_ =	swait.ge [sflag:s23], $0x1  }
0xa4: {  	[sflag:s23] =	ssyncset.done $0x0  }
0xa5: {  	s25 =	simm.s32 $0x1B8E;
	s24 =	sld [smem:$0x3FFE];
	[sflag:s23] =	ssyncadd.s32 $0xFFFFFFFF  }
0xa6: {  	s26 =	simm.s32 $execute0_lowered;
	[smem:$0x3FD2] =	sst s25  }
0xa7: {  	s6 =	sshll.u32 s26, $0x1;
	_ =	strace $0x80000046;
	[dreg:$0x1] =	wrdreg $0xFFFFFFFF  }
0xa8: {  	s28 =	simm.s32 $_size_execute0_lowered;
	s4 =	sadd.s32 s4, s6;
	[dreg:$0x0] =	wrdreg $0x0  }
0xa9: {  	s6 =	sshll.u32 s28, $0x1;
	[dreg:$0x2] =	wrdreg s4  }
0xaa: {  	[dreg:$0x3] =	wrdreg s6  }
0xab: {  	[dreg:$0x4] =	wrdreg $0xC0  }
0xac: {  	_ =	task [dreg:s8], $0x5FFFF  }
0xad: {  	[dreg:$0x1] =	wrdreg $0xFFFFFFFF  }
0xae: {  	[dreg:$0x0] =	wrdreg $0x60  }
0xaf: {  	[dreg:$0x2] =	wrdreg s2  }
0xb0: {  	[dreg:$0x3] =	wrdreg s24  }
0xb1: {  	[dreg:$0x4] =	wrdreg s18  }
0xb2: {  	[dreg:$0x5] =	wrdreg $0x9  }
0xb3: {  	_ =	task.clear_ibuf [dreg:s8], $0x6FFFF;
	_ =	strace $0x90000046  }
0xb4: {  	s29 =	simm.s32 $0x9;
	_ =	strace $0x80000048  }
0xb5: {  	_ =	swait.ge [sflag:s29], $0x1  }
0xb6: {  	[sflag:s29] =	ssyncadd.s32 $0xFFFFFFFF  }
0xb7: {  	_ =	strace $0x90000048  }
0xb8: {  	_ =	sfence  }
0xb9: {  	s30 =	sld [smem:$0x0];
	_ =	sdelay $0x2  }
0xba: {  	s31 =	sshll.u32 s1, $0xD;
	s1 =	sshrl.u32 s1, $0x2  }
0xbb: {  	s3 =	sand.u32 $0x4000, s31;
	s1 =	sadd.s32 s1, s30  }
0xbc: {  	s0 =	sor.u32 s3, s0;
	s1 =	sshll.u32 s1, $0x11  }
0xbd: {  	s0 =	sor.u32 s1, s0  }
0xbe: {  	s0 =	sadd.s32 $0x8F2B, s0  }
0xbf: {  	[sflag:s0] =	ssyncadd.remote.s32 $0x1  }
0xc0: {  	_ =	sfence.sel $0xFFFF  }
0xc1: {  	[dreg:$0x0] =	wrdreg $0xFFFFFFFF;
	(pc) =	sbr.abs _section_cstart, $3  }
0xc2: {  	[dreg:$0x1] =	wrdreg $0xFFFFFFFF  }
0xc3: {  	_ =	task.clear_ibuf [dreg:s8], $0x2FFFF;
	_ =	strace $0x9FFFFFFF  }
0xc4: {  	(tm) =	ssettm $0x7FFFFFFF  }
0xc5: {  	_ =	shalt  }
tec
execute0_lowered:
.L_overlay_start_1:
0x0: {  	(tag) =	ssettag $0x1  }
0x1: {  	s8 =	rddreg [dreg:$0x0]  }
0x2: {  	s9 =	rddreg [dreg:$0x1]  }
0x3: {  	s1 =	rddreg [dreg:$0x2]  }
0x4: {  	s0 =	rddreg [dreg:$0x3];
	s3 =	simm.s32 $0x0;
	s5 =	srdreg.scid  }
0x5: {  	s2 =	stileid.u32;
	s13 =	simm.s32 $0x2A00;
	s14 =	simm.s32 $0x800  }
0x6: {  	s15 =	simm.s32 $0x1200;
	s16 =	simm.s32 $0x1A00;
	s17 =	simm.s32 $0x1  }
0x7: {  	s18 =	simm.s32 $0x2B00;
	s19 =	simm.s32 $0x2200;
	s20 =	simm.s32 $0xAB00  }
0x8: {  	s21 =	simm.s32 $0x0;
	[smem:$0x7FF] =	sst s3;
	s4 =	sadd.s32 $0x800, s9  }
0x9: {  	s10 =	sand.u32 $0x1, s5;
	s7 =	sshll.u32 s2, $0x1;
	s5 =	sadd.s32 $0x100A00, s9  }
0xa: {  	s6 =	sadd.s32 $0xA00, s9;
	_ =	strace $0x80000047;
	s11 =	sor.u32 s10, s7  }
0xb: {  	s7 =	sadd.s32 $0x7AC00, s9;
	s10 =	ssub.s32 $0x2, s10;
	s12 =	sshll.u32 s11, $0xC  }
0xc: {  	v0 =	vlaneseq.u32;
	s31 =	sshrl.u32 s10, $0x1;
	s11 =	sshll.u32 s11, $0x6;
	s9 =	sadd.s32 s12, s9  }
0xd: {  	v0 =	vand.u32 $0x3, v0;
	s10 =	ssub.s32 s10, s31;
	s8 =	sadd.s32 s8, s11;
	s11 =	simm.s32 $0x2  }
0xe: {  	v1 =	vmul.u32 $0xF4200, v0;
	s12 =	simm.s32 $0x200;
	s9 =	sadd.s32 $0x7AE00, s9;
	s10 =	smax.u32 s10, $0x1  }
.LBB2_1:
0xf: {  	[tilespmem:s3], [sflag:$0x2] =	stream.linear.gather [hbm4b:s8+s3], $0x200, $0x38;
	[tilespmem:$0x12B00] =	vst v63  }
0x10: {  	_ =	swait.ge [sflag:s11], $0x200  }
0x11: {  	[sflag:s11] =	ssyncset.done $0x0  }
0x12: {  	[sflag:s11] =	ssyncadd.s32 $0xFFFFFE00  }
0x13: {  	[tilespmem:s12], [sflag:$0x2] =	stream.linear.gather [hbm4b:s4+s3], $0x800, $0x38;
	[tilespmem:$0x12B00] =	vst v63  }
0x14: {  	_ =	swait.ge [sflag:s11], $0x800  }
0x15: {  	[sflag:s11] =	ssyncset.done $0x0  }
0x16: {  	[sflag:s11] =	ssyncadd.s32 $0xFFFFF800  }
0x17: {  	[tilespmem:s13], [sflag:$0x2] =	stream.linear.gather [hbm4b:s7+s3], $0x100, $0x38;
	[tilespmem:$0x12B00] =	vst v63  }
0x18: {  	_ =	swait.ge [sflag:s11], $0x100  }
0x19: {  	[sflag:s11] =	ssyncset.done $0x0  }
0x1a: {  	s22 =	simm.s32 $0x0;
	[sflag:s11] =	ssyncadd.s32 $0xFFFFFF00  }
0x1b: {  	v2 =	vld [tilespmem:s22+$0x200];
	_ =	sdelay $0x7  }
0x1c: {  	v2 =	vld.idx.msk [tilespmem:v2+s3+$0x0], $0xffff  }
0x1d: {  	v3 =	vld [tilespmem:s22+$0x210];
	_ =	sdelay $0x3  }
0x1e: {  	vm0 =	vlt.s32 v2, $0xF41FF  }
0x1f: {  	v4 =	vnsel vm0, $0xF41FF, v2  }
0x20: {  	[tilespmem:s22+$0xA00] =	vst v2;
	v2 =	vadd.s32 v1, v4  }
0x21: {  	[tilespmem:s22+$0x1200] =	vst v2  }
0x22: {  	s24 =	simm.s32 $0x20;
	s23 =	simm.s32 $0x100;
	v2 =	vld.idx.msk [tilespmem:v3+s3+$0x0], $0xffff  }
.LBB2_2:
0x23: {  	p0 =	sne.s32 s23, $0x1F80;
	v3 =	vld [tilespmem:s24+$0x200];
	_ =	sdelay $0x3  }
0x24: {  	vm0 =	vlt.s32 v2, $0xF41FF;
	[tilespmem:s22+$0xA10] =	vst v2  }
0x25: {  	v2 =	vnsel vm0, $0xF41FF, v2  }
0x26: {  	v2 =	vadd.s32 v1, v2  }
0x27: {  	[tilespmem:s22+$0x1210] =	vst v2;
	s22 =	smov.u32 s24  }
0x28: {  	v2 =	vld.idx.msk [tilespmem:v3+s3+$0x0], $0xffff;
	_ =	sdelay $0x1  }
0x29: {  	v3 =	vld [tilespmem:s22+$0x210];
	_ =	sdelay $0x3  }
0x2a: {  	vm0 =	vlt.s32 v2, $0xF41FF;
	[tilespmem:s22+$0xA00] =	vst v2  }
.Ltmp0:
0x2b: {  	v2 =	vnsel vm0, $0xF41FF, v2;
	(pc) =	sbr.rel @p0 .LBB2_2-.Ltmp0, $4  }
0x2c: {  	v2 =	vadd.s32 v1, v2  }
0x2d: {  	[tilespmem:s22+$0x1200] =	vst v2  }
0x2e: {  	v2 =	vld.idx.msk [tilespmem:v3+s3+$0x0], $0xffff  }
0x2f: {  	s24 =	sshra.s32 s23, $0x2;
	s23 =	sadd.s32 $0x80, s23  }
0x30: {  	v3 =	vld [tilespmem:s24+$0x200];
	_ =	sdelay $0x3  }
0x31: {  	vm0 =	vlt.s32 v2, $0xF41FF  }
0x32: {  	v4 =	vnsel vm0, $0xF41FF, v2  }
0x33: {  	[tilespmem:s22+$0xA10] =	vst v2;
	v2 =	vadd.s32 v1, v4  }
0x34: {  	[tilespmem:s22+$0x1210] =	vst v2  }
0x35: {  	v2 =	vld.idx.msk [tilespmem:v3+s3+$0x0], $0xffff  }
0x36: {  	v3 =	vld [tilespmem:s24+$0x210];
	_ =	sdelay $0x3  }
0x37: {  	vm9 =	vlt.s32 v2, $0xF41FF  }
0x38: {  	v4 =	vnsel vm9, $0xF41FF, v2  }
0x39: {  	[tilespmem:s24+$0xA00] =	vst v2;
	v2 =	vadd.s32 v1, v4  }
0x3a: {  	[tilespmem:s24+$0x1200] =	vst v2  }
0x3b: {  	v2 =	vld.idx.msk [tilespmem:v3+s3+$0x0], $0xffff;
	_ =	sdelay $0x4  }
0x3c: {  	vm10 =	vlt.s32 v2, $0xF41FF  }
0x3d: {  	v3 =	vnsel vm10, $0xF41FF, v2  }
0x3e: {  	[tilespmem:s24+$0xA10] =	vst v2;
	v2 =	vadd.s32 v1, v3  }
0x3f: {  	[tilespmem:s24+$0x1210] =	vst v2  }
0x40: {  	[tilespmem:s16], [sflag:$0x1] =	stream.indirect.gather [hbm4b:s6+s14], $0x1, s15, s14, $0xb8;
	[tilespmem:$0x12B00] =	vst v63  }
0x41: {  	_ =	swait.ge [sflag:s17], $0x800  }
0x42: {  	[sflag:s17] =	ssyncset.done $0x0  }
0x43: {  	s22 =	simm.s32 $0x0;
	[sflag:s17] =	ssyncadd.s32 $0xFFFFF800  }
0x44: {  	v2 =	vld [tilespmem:s22+$0xA00];
	_ =	sdelay $0x4  }
0x45: {  	v3 =	vadd.s32 $0xFFF0BE00, v2  }
0x46: {  	vm11 =	vgt.s32 v3, $0x0  }
0x47: {  	v3 =	vnsel vm11, $0x0, v3  }
0x48: {  	v3 =	vshll.u32 v3, $0x2  }
0x49: {  	v3 =	vor.u32 v0, v3;
	_ =	sdelay $0x1  }
0x4a: {  	v4 =	vld [tilespmem:s22+$0xA10];
	_ =	sdelay $0x1  }
0x4b: {  	v5 =	vld [tilespmem:s22+$0x1A00]  }
0x4c: {  	v3 =	vld.idx.msk [tilespmem:v3+s13+$0x0], $0xffff;
	_ =	sdelay $0x1  }
0x4d: {  	v6 =	vadd.s32 $0xFFF0BE00, v4  }
0x4e: {  	vm12 =	vgt.s32 v6, $0x0  }
0x4f: {  	vm1 =	vgt.s32 v2, $0xF41FF;
	v2 =	vnsel vm12, $0x0, v6  }
0x50: {  	v2 =	vshll.u32 v2, $0x2;
	v3 =	vsel vm1, v3, v5  }
0x51: {  	v6 =	vor.u32 v0, v2;
	v5 =	vshll.u32 v3, $0x2  }
0x52: {  	s23 =	simm.s32 $0x20;
	v2 =	vand.u32 $0x3FFFC, v5;
	v5 =	vshrl.u32 v3, $0xE  }
0x53: {  	v3 =	vld [tilespmem:s23+$0xA00];
	v2 =	vor.u32 v0, v2;
	v5 =	vand.u32 $0x3FFFC, v5  }
0x54: {  	[tilespmem:s22+$0x1A00] =	vst v2;
	v5 =	vor.u32 v0, v5  }
0x55: {  	v2 =	vld [tilespmem:s23+$0xA10];
	[tilespmem:s22+$0x2200] =	vst v5  }
0x56: {  	v5 =	vld.idx.msk [tilespmem:v6+s13+$0x0], $0xffff  }
0x57: {  	v6 =	vld [tilespmem:s22+$0x1A10]  }
0x58: {  	v7 =	vadd.s32 $0xFFF0BE00, v3  }
0x59: {  	vm13 =	vgt.s32 v7, $0x0  }
0x5a: {  	vm14 =	vgt.s32 v4, $0xF41FF;
	v4 =	vnsel vm13, $0x0, v7  }
0x5b: {  	v8 =	vadd.s32 $0xFFF0BE00, v2;
	v4 =	vshll.u32 v4, $0x2  }
0x5c: {  	vm15 =	vgt.s32 v8, $0x0;
	v6 =	vsel vm14, v5, v6;
	v5 =	vor.u32 v0, v4  }
0x5d: {  	v7 =	vnsel vm15, $0x0, v8;
	v8 =	vshll.u32 v6, $0x2;
	v9 =	vshrl.u32 v6, $0xE  }
0x5e: {  	s24 =	simm.s32 $0x100;
	v4 =	vshll.u32 v7, $0x2;
	v6 =	vand.u32 $0x3FFFC, v8;
	v7 =	vand.u32 $0x3FFFC, v9  }
.LBB2_4:
0x5f: {  	p0 =	sne.s32 s24, $0x1F80;
	v6 =	vor.u32 v0, v6;
	v7 =	vor.u32 v0, v7;
	s25 =	smov.u32 s24;
	s24 =	sadd.s32 $0x80, s24  }
0x60: {  	[tilespmem:s22+$0x1A10] =	vst v6  }
0x61: {  	[tilespmem:s22+$0x2210] =	vst v7;
	s22 =	smov.u32 s23  }
0x62: {  	v5 =	vld.idx.msk [tilespmem:v5+s13+$0x0], $0xffff  }
0x63: {  	v6 =	vld [tilespmem:s22+$0x1A00];
	_ =	sdelay $0x3  }
0x64: {  	vm0 =	vgt.s32 v3, $0xF41FF  }
0x65: {  	v4 =	vor.u32 v0, v4;
	v3 =	vsel vm0, v5, v6  }
0x66: {  	v5 =	vshll.u32 v3, $0x2;
	v3 =	vshrl.u32 v3, $0xE  }
0x67: {  	v5 =	vand.u32 $0x3FFFC, v5;
	v3 =	vand.u32 $0x3FFFC, v3  }
0x68: {  	s23 =	sshra.s32 s25, $0x2;
	v5 =	vor.u32 v0, v5;
	v6 =	vor.u32 v0, v3  }
0x69: {  	v3 =	vld [tilespmem:s23+$0xA00];
	[tilespmem:s22+$0x1A00] =	vst v5  }
0x6a: {  	v5 =	vld [tilespmem:s23+$0xA10];
	[tilespmem:s22+$0x2200] =	vst v6  }
0x6b: {  	v4 =	vld.idx.msk [tilespmem:v4+s13+$0x0], $0xffff  }
0x6c: {  	v6 =	vld [tilespmem:s22+$0x1A10];
	_ =	sdelay $0x1  }
0x6d: {  	v7 =	vadd.s32 $0xFFF0BE00, v3  }
.Ltmp1:
0x6e: {  	vm1 =	vgt.s32 v2, $0xF41FF;
	vm0 =	vgt.s32 v7, $0x0;
	v8 =	vadd.s32 $0xFFF0BE00, v5;
	v2 =	vmovc v5;
	(pc) =	sbr.rel @p0 .LBB2_4-.Ltmp1, $4  }
0x6f: {  	v5 =	vnsel vm0, $0x0, v7;
	vm0 =	vgt.s32 v8, $0x0  }
0x70: {  	v5 =	vshll.u32 v5, $0x2;
	v7 =	vnsel vm0, $0x0, v8;
	v4 =	vsel vm1, v4, v6  }
0x71: {  	v5 =	vor.u32 v0, v5;
	v6 =	vshll.u32 v4, $0x2;
	v8 =	vshrl.u32 v4, $0xE  }
0x72: {  	v4 =	vshll.u32 v7, $0x2;
	v6 =	vand.u32 $0x3FFFC, v6;
	v7 =	vand.u32 $0x3FFFC, v8  }
0x73: {  	_ = 	snop  }
0x74: {  	v6 =	vor.u32 v0, v6  }
0x75: {  	v7 =	vor.u32 v0, v7;
	[tilespmem:s22+$0x1A10] =	vst v6  }
0x76: {  	[tilespmem:s22+$0x2210] =	vst v7  }
0x77: {  	v5 =	vld.idx.msk [tilespmem:v5+s13+$0x0], $0xffff  }
0x78: {  	v6 =	vld [tilespmem:s23+$0x1A00];
	_ =	sdelay $0x3  }
0x79: {  	vm0 =	vgt.s32 v3, $0xF41FF  }
0x7a: {  	v3 =	vsel vm0, v5, v6  }
0x7b: {  	v4 =	vor.u32 v0, v4;
	v5 =	vshll.u32 v3, $0x2  }
0x7c: {  	v3 =	vshrl.u32 v3, $0xE;
	v5 =	vand.u32 $0x3FFFC, v5  }
0x7d: {  	v3 =	vand.u32 $0x3FFFC, v3;
	v5 =	vor.u32 v0, v5  }
0x7e: {  	v3 =	vor.u32 v0, v3;
	[tilespmem:s23+$0x1A00] =	vst v5  }
0x7f: {  	[tilespmem:s23+$0x2200] =	vst v3  }
0x80: {  	v3 =	vld.idx.msk [tilespmem:v4+s13+$0x0], $0xffff  }
0x81: {  	v4 =	vld [tilespmem:s23+$0x1A10];
	_ =	sdelay $0x3  }
0x82: {  	vm15 =	vgt.s32 v2, $0xF41FF  }
0x83: {  	v2 =	vsel vm15, v3, v4  }
0x84: {  	v3 =	vshll.u32 v2, $0x2  }
0x85: {  	v2 =	vshrl.u32 v2, $0xE;
	v3 =	vand.u32 $0x3FFFC, v3  }
0x86: {  	v2 =	vand.u32 $0x3FFFC, v2;
	v3 =	vor.u32 v0, v3  }
0x87: {  	v2 =	vor.u32 v0, v2;
	[tilespmem:s23+$0x1A10] =	vst v3  }
0x88: {  	[tilespmem:s23+$0x2210] =	vst v2  }
0x89: {  	[tilespmem:s18], [sflag:$0x1] =	stream.indirect.gather [hbm4b:s1+s14], $0x10, s16, s14, $0xb8;
	[tilespmem:$0x12B00] =	vst v63  }
0x8a: {  	_ = 	snop  }
0x8b: {  	[tilespmem:s20], [sflag:$0x1] =	stream.indirect.gather [hbm4b:s5+s14], $0x10, s19, s14, $0xb8;
	[tilespmem:$0x12B00] =	vst v63  }
0x8c: {  	_ =	swait.ge [sflag:s17], $0x8000  }
0x8d: {  	[sflag:s17] =	ssyncset.done $0x0  }
0x8e: {  	[sflag:s17] =	ssyncadd.s32 $0xFFFF8000  }
0x8f: {  	_ =	swait.ge [sflag:s17], $0x8000  }
0x90: {  	[sflag:s17] =	ssyncset.done $0x0  }
0x91: {  	s22 =	simm.s32 $0x0;
	[sflag:s17] =	ssyncadd.s32 $0xFFFF8000  }
0x92: {  	v7 =	vld [tilespmem:s22+$0xAB00]  }
0x93: {  	v8 =	vld [tilespmem:s22+$0xAB10]  }
0x94: {  	v3 =	vld [tilespmem:s22+$0xAB20]  }
0x95: {  	v2 =	vld [tilespmem:s22+$0xAB30]  }
0x96: {  	v4 =	vld [tilespmem:s22+$0x2B00]  }
0x97: {  	v6 =	vld [tilespmem:s22+$0x2B10]  }
0x98: {  	s23 =	simm.s32 $0x100;
	v5 =	vld [tilespmem:s22+$0x2B20]  }
.LBB2_6:
0x99: {  	s24 =	sshra.s32 s23, $0x2;
	p0 =	sne.s32 s23, $0x1FF00;
	v9 =	vld [tilespmem:s22+$0x2B30];
	v10 =	vmov v3  }
0x9a: {  	v11 =	vld [tilespmem:s24+$0xAB00];
	v12 =	vmov v2  }
0x9b: {  	v13 =	vld [tilespmem:s24+$0xAB10];
	v4 =	vadd.f32 v7, v4  }
.Ltmp2:
0x9c: {  	v3 =	vld [tilespmem:s24+$0xAB20];
	v6 =	vadd.f32 v8, v6;
	(pc) =	sbr.rel @p0 .LBB2_6-.Ltmp2, $4  }
0x9d: {  	v2 =	vld [tilespmem:s24+$0xAB30];
	[tilespmem:s22+$0x2B00] =	vst v4;
	v5 =	vadd.f32 v10, v5  }
0x9e: {  	v4 =	vld [tilespmem:s24+$0x2B00];
	[tilespmem:s22+$0x2B10] =	vst v6;
	v9 =	vadd.f32 v12, v9  }
0x9f: {  	v6 =	vld [tilespmem:s24+$0x2B10];
	[tilespmem:s22+$0x2B20] =	vst v5;
	v7 =	vmov v11  }
0xa0: {  	s23 =	sadd.s32 $0x100, s23;
	v5 =	vld [tilespmem:s24+$0x2B20];
	[tilespmem:s22+$0x2B30] =	vst v9;
	v8 =	vmov v13;
	s22 =	smov.u32 s24  }
0xa1: {  	v9 =	vld [tilespmem:s22+$0x2B30];
	_ =	sdelay $0x1  }
0xa2: {  	v4 =	vadd.f32 v7, v4  }
0xa3: {  	v6 =	vadd.f32 v8, v6  }
0xa4: {  	[tilespmem:s22+$0x2B00] =	vst v4;
	v3 =	vadd.f32 v3, v5  }
0xa5: {  	s21 =	sadd.s32 $0x1, s21;
	[tilespmem:s22+$0x2B10] =	vst v6;
	v2 =	vadd.f32 v2, v9  }
0xa6: {  	p0 =	sne.s32 s21, s10;
	[tilespmem:s22+$0x2B20] =	vst v3  }
.Ltmp3:
0xa7: {  	[tilespmem:s22+$0x2B30] =	vst v2;
	(pc) =	sbr.rel @p0 .LBB2_1-.Ltmp3, $4  }
0xa8: {  	[hbm4b:s9+s3] =	stream.linear.scatter [tilespmem:s18], [sflag:$0x2], $0x8000, $0x38;
	[tilespmem:$0x12B00] =	vst v63  }
0xa9: {  	_ =	swait.ge [sflag:s11], $0x8000  }
0xaa: {  	[sflag:s11] =	ssyncset.done $0x0  }
0xab: {  	[sflag:s11] =	ssyncadd.s32 $0xFFFF8000  }
0xac: {  	_ =	sfence.sel $0x180000  }
0xad: {  	[bflag:$0x0] =	sbarrier.arrive $0xFFFF  }
0xae: {  	p0 =	sne.s32 s2, $0x0;
	_ =	strace $0x90000047  }
0xaf: {  	s0 =	sadd.s32 @!p0 $0x100000, s0;
	[bflag:$0x2] =	sbarrier.arrive $0xFFFF  }
0xb0: {  	[sflag:s0] =	ssyncadd.tile.s32 @!p0 $0x1;
	_ =	shalt  }
.Lfunc_end2:
_tile_overlayer_lowered:
.L_overlay_start_2:
0xb1: {  	(tag) =	ssettag $0x2  }
0xb2: {  	s0 =	rddreg [dreg:$0x0];
	s2 =	stileid.u32  }
0xb3: {  	s1 =	rddreg [dreg:$0x1];
	p0 =	sne.s32 s2, $0x0  }
0xb4: {  	s3 =	rddreg [dreg:$0x2];
	[bflag:$0x3] =	sbarrier.arrive $0xFFFF;
	s2 =	simm.s32 @!p0 $0x1C02  }
0xb5: {  	[timem:s3], [sflag:s2] =	dma.local @!p0 [hbm:s0], s1  }
0xb6: {  	s0 =	simm.s32 @!p0 $0x2  }
0xb7: {  	_ =	swait.ge @!p0 [sflag:s0], s1  }
0xb8: {  	s1 =	ssub.s32 @!p0 $0x0, s1;
	[sflag:s0] =	ssyncset.done @!p0 $0x0  }
0xb9: {  	[sflag:s0] =	ssyncadd.s32 @!p0 s1  }
0xba: {  	[bflag:$0x3] =	sbarrier.arrive $0xFFFF  }
0xbb: {  	_ =	shalt  }

</sc_bundles>
